<compile_context>
chip_gen: v7x
topology: tpu7x:2x2x1
jax: 0.10.2.dev20260603
libtpu: 0.0.44.dev20260713+nightly
codegen_flags: <defaults>
</compile_context>

<pallas_src>
import functools

import jax
import jax.numpy as jnp
from jax import lax
from jax.experimental import pallas as pl
from jax.experimental.pallas import tpu as pltpu
from jax.experimental.pallas import tpu_sc as plsc

SEQ_LEN = 8192
EMB_DIM = 1024
BATCH = 4

NUM_CORES = 2
NUM_SUBCORES = 16
NW = NUM_CORES * NUM_SUBCORES
B_TOTAL = BATCH * SEQ_LEN
B_PER_W = B_TOTAL // NW
CHUNK = 32
N_CHUNKS = B_PER_W // CHUNK
NBUF = 3


def _gather_body(seq_hbm, table_hbm, out_hbm, idx_v, rows_v, sem_g, sem_w):
    wid = lax.axis_index("s") * NUM_CORES + lax.axis_index("c")
    base = wid * B_PER_W

    pltpu.sync_copy(seq_hbm.at[wid], idx_v)

    def fire_gather(j):
        pltpu.async_copy(
            table_hbm.at[idx_v.at[j]], rows_v.at[lax.rem(j, NBUF)], sem_g)

    def wait_gather(j):
        pltpu.make_async_copy(
            table_hbm.at[idx_v.at[j]], rows_v.at[lax.rem(j, NBUF)],
            sem_g).wait()

    def fire_write(j):
        pltpu.async_copy(
            rows_v.at[lax.rem(j, NBUF)],
            out_hbm.at[pl.ds(base + j * CHUNK, CHUNK)], sem_w)

    def wait_write(j):
        pltpu.make_async_copy(
            rows_v.at[lax.rem(j, NBUF)],
            out_hbm.at[pl.ds(base + j * CHUNK, CHUNK)], sem_w).wait()

    fire_gather(0)
    fire_gather(1)

    def step(j, carry):
        wait_gather(j)
        @pl.when(j >= 1)
        def _():
            wait_write(j - 1)

        @pl.when(j + 2 < N_CHUNKS)
        def _():
            fire_gather(j + 2)

        fire_write(j)
        return carry

    lax.fori_loop(0, N_CHUNKS, step, 0)
    wait_write(N_CHUNKS - 1)


@jax.jit
def _positional_encoding(seq_grouped, position_embed):
    mesh = plsc.VectorSubcoreMesh(core_axis_name="c", subcore_axis_name="s")
    run = pl.kernel(
        _gather_body,
        out_type=jax.ShapeDtypeStruct((B_TOTAL, EMB_DIM), jnp.float32),
        mesh=mesh,
        scratch_types=[
            pltpu.VMEM((N_CHUNKS, CHUNK), jnp.int32),
            pltpu.VMEM((NBUF, CHUNK, EMB_DIM), jnp.float32),
            pltpu.SemaphoreType.DMA,
            pltpu.SemaphoreType.DMA,
        ],
    )
    return run(seq_grouped, position_embed)


def kernel(seq, position_embed):
    seq_grouped = seq.reshape(NW, N_CHUNKS, CHUNK).astype(jnp.int32)
    out = _positional_encoding(seq_grouped, position_embed)
    return out.reshape(BATCH, SEQ_LEN, EMB_DIM)

# --- scband reference (transcript-rebuilt; emitter-appended) ---
"""Pipeline reference for scband-positional-encoding-60078002536635 (READ-ONLY COPY).

The authoritative reference and input builder live on the scoring server;
editing this copy changes nothing except your own understanding.
"""

import jax, jax.numpy as jnp
import numpy as np

SEQ_LEN = 8192
EMB_DIM = 1024
BATCH = 4

def setup_inputs(seed: int = 0) -> dict:
    key = jax.random.key(seed)
    k1, k2 = jax.random.split(key)
    seq = jax.random.randint(k1, (BATCH, SEQ_LEN), 0, SEQ_LEN, dtype=jnp.int64 if jax.config.jax_enable_x64 else jnp.int32)
    # nn.Embedding default init: N(0, 1)
    position_embed = jax.random.normal(k2, (SEQ_LEN, EMB_DIM), dtype=jnp.float32)
    return {"seq": seq, "position_embed": position_embed}

def reference(seq, position_embed):
    # pos = self.position_embed(seq)
    pos = jnp.take(position_embed, seq, axis=0)
    return pos

if __name__ == "__main__":
    import jax
    _d = setup_inputs()
    print(jax.jit(kernel)(*tuple(_d.values())))

</pallas_src>

<mosaic_0001>
#map = affine_map<(d0, d1) -> (0, 0, 0)>
#map1 = affine_map<(d0, d1) -> (0, 0)>
module attributes {stable_mosaic.version = 14 : i64} {
  func.func @_gather_body(%arg0: i32, %arg1: i32, %arg2: memref<32x32x32xi32, #tpu.memory_space<hbm>>, %arg3: memref<8192x1024xf32, #tpu.memory_space<hbm>>, %arg4: memref<32768x1024xf32, #tpu.memory_space<hbm>>, %arg5: memref<32x32xi32, #tpu.memory_space<vmem>>, %arg6: memref<3x32x1024xf32, #tpu.memory_space<vmem>>, %arg7: memref<!tpu.dma_semaphore, #tpu.memory_space<semaphore_mem>>, %arg8: memref<!tpu.dma_semaphore, #tpu.memory_space<semaphore_mem>>) attributes {dimension_semantics = [#tpu.dimension_semantics<core_parallel>, #tpu.dimension_semantics<subcore_parallel>], iteration_bounds = array<i64: 2, 16>, scalar_prefetch = 0 : i64, scratch_operands = 4 : i64, tpu.core_type = #tpu.core_type<sc_vector_subcore>, window_params = [{transform_indices = #map}, {transform_indices = #map1}, {transform_indices = #map1}]} {
    %mul3A = arith.constant 2 : i32
    %mul3A_0 = arith.muli %arg1, %mul3A : i32
    %add3A = arith.addi %mul3A_0, %arg0 : i32
    %mul3A_1 = arith.constant 1024 : i32
    %mul3A_2 = arith.muli %add3A, %mul3A_1 : i32
    "tpu.region"() ({
      %run_scoped3A = tpu.sem_alloc : memref<!tpu.dma_semaphore, #tpu.memory_space<semaphore_mem>>
      %dma_start3A_50 = arith.constant 0 : i32
      %dma_start3A_51 = arith.constant 0 : i32
      %dma_start3A_52 = tpu.memref_slice %arg2[%add3A, %dma_start3A_50, %dma_start3A_51] : memref<32x32x32xi32, #tpu.memory_space<hbm>> -> memref<1x32x32xi32, #tpu.memory_space<hbm>>
      %dma_start3A_53 = tpu.memref_squeeze %dma_start3A_52 : memref<1x32x32xi32, #tpu.memory_space<hbm>> -> memref<32x32xi32, #tpu.memory_space<hbm>>
      %dma_start3A_54 = arith.constant 0 : i32
      %dma_start3A_55 = arith.constant 0 : i32
      %dma_start3A_56 = tpu.memref_slice %arg2[%add3A, %dma_start3A_54, %dma_start3A_55] : memref<32x32x32xi32, #tpu.memory_space<hbm>> -> memref<1x32x32xi32, #tpu.memory_space<hbm>>
      %dma_start3A_57 = tpu.memref_squeeze %dma_start3A_56 : memref<1x32x32xi32, #tpu.memory_space<hbm>> -> memref<32x32xi32, #tpu.memory_space<hbm>>
      tpu.enqueue_dma source(%dma_start3A_57 : memref<32x32xi32, #tpu.memory_space<hbm>>) target(%arg5 : memref<32x32xi32, #tpu.memory_space<vmem>>) target_semaphore(%run_scoped3A : memref<!tpu.dma_semaphore, #tpu.memory_space<semaphore_mem>>)
      %dma_wait3A_58 = arith.constant 0 : i32
      %dma_wait3A_59 = arith.constant 0 : i32
      %dma_wait3A_60 = tpu.memref_slice %arg2[%add3A, %dma_wait3A_58, %dma_wait3A_59] : memref<32x32x32xi32, #tpu.memory_space<hbm>> -> memref<1x32x32xi32, #tpu.memory_space<hbm>>
      %dma_wait3A_61 = tpu.memref_squeeze %dma_wait3A_60 : memref<1x32x32xi32, #tpu.memory_space<hbm>> -> memref<32x32xi32, #tpu.memory_space<hbm>>
      %dma_wait3A_62 = arith.constant 0 : i32
      %dma_wait3A_63 = arith.constant 0 : i32
      %dma_wait3A_64 = tpu.memref_slice %arg2[%add3A, %dma_wait3A_62, %dma_wait3A_63] : memref<32x32x32xi32, #tpu.memory_space<hbm>> -> memref<1x32x32xi32, #tpu.memory_space<hbm>>
      %dma_wait3A_65 = tpu.memref_squeeze %dma_wait3A_64 : memref<1x32x32xi32, #tpu.memory_space<hbm>> -> memref<32x32xi32, #tpu.memory_space<hbm>>
      tpu.wait_dma2 semaphore(%run_scoped3A : memref<!tpu.dma_semaphore, #tpu.memory_space<semaphore_mem>>) src(%dma_wait3A_65 : memref<32x32xi32, #tpu.memory_space<hbm>>) dst(%arg5 : memref<32x32xi32, #tpu.memory_space<vmem>>)
      tpu.yield
    }) : () -> ()
    %rem3A = arith.constant 0 : i32
    %rem3A_3 = arith.constant 3 : i32
    %rem3A_4 = arith.remsi %rem3A, %rem3A_3 : i32
    %dma_start3A = arith.constant 0 : i32
    %dma_start3A_5 = arith.constant 0 : i32
    %dma_start3A_6 = arith.constant 0 : i32
    %dma_start3A_7 = tpu.memref_slice %arg6[%rem3A_4, %dma_start3A_5, %dma_start3A_6] : memref<3x32x1024xf32, #tpu.memory_space<vmem>> -> memref<1x32x1024xf32, #tpu.memory_space<vmem>>
    %dma_start3A_8 = tpu.memref_squeeze %dma_start3A_7 : memref<1x32x1024xf32, #tpu.memory_space<vmem>> -> memref<32x1024xf32, #tpu.memory_space<vmem>>
    %dma_start3A_9 = arith.constant 0 : i32
    %dma_start3A_10 = tpu.memref_slice %arg5[%dma_start3A, %dma_start3A_9] : memref<32x32xi32, #tpu.memory_space<vmem>> -> memref<1x32xi32, #tpu.memory_space<vmem>>
    %dma_start3A_11 = tpu.memref_squeeze %dma_start3A_10 : memref<1x32xi32, #tpu.memory_space<vmem>> -> memref<32xi32, #tpu.memory_space<vmem>>
    %dma_start3A_12 = arith.constant 0 : i32
    %dma_start3A_13 = arith.constant 0 : i32
    %dma_start3A_14 = tpu.memref_slice %arg3[%dma_start3A_12, %dma_start3A_13] : memref<8192x1024xf32, #tpu.memory_space<hbm>> -> memref<8192x1024xf32, #tpu.memory_space<hbm>>
    tpu.enqueue_indirect_dma source(%dma_start3A_14 : memref<8192x1024xf32, #tpu.memory_space<hbm>>) target(%dma_start3A_8 : memref<32x1024xf32, #tpu.memory_space<vmem>>) offsets(%dma_start3A_11 : memref<32xi32, #tpu.memory_space<vmem>>) semaphore(%arg7 : memref<!tpu.dma_semaphore, #tpu.memory_space<semaphore_mem>>)
    %rem3A_15 = arith.constant 1 : i32
    %rem3A_16 = arith.constant 3 : i32
    %rem3A_17 = arith.remsi %rem3A_15, %rem3A_16 : i32
    %dma_start3A_18 = arith.constant 1 : i32
    %dma_start3A_19 = arith.constant 0 : i32
    %dma_start3A_20 = arith.constant 0 : i32
    %dma_start3A_21 = tpu.memref_slice %arg6[%rem3A_17, %dma_start3A_19, %dma_start3A_20] : memref<3x32x1024xf32, #tpu.memory_space<vmem>> -> memref<1x32x1024xf32, #tpu.memory_space<vmem>>
    %dma_start3A_22 = tpu.memref_squeeze %dma_start3A_21 : memref<1x32x1024xf32, #tpu.memory_space<vmem>> -> memref<32x1024xf32, #tpu.memory_space<vmem>>
    %dma_start3A_23 = arith.constant 0 : i32
    %dma_start3A_24 = tpu.memref_slice %arg5[%dma_start3A_18, %dma_start3A_23] : memref<32x32xi32, #tpu.memory_space<vmem>> -> memref<1x32xi32, #tpu.memory_space<vmem>>
    %dma_start3A_25 = tpu.memref_squeeze %dma_start3A_24 : memref<1x32xi32, #tpu.memory_space<vmem>> -> memref<32xi32, #tpu.memory_space<vmem>>
    %dma_start3A_26 = arith.constant 0 : i32
    %dma_start3A_27 = arith.constant 0 : i32
    %dma_start3A_28 = tpu.memref_slice %arg3[%dma_start3A_26, %dma_start3A_27] : memref<8192x1024xf32, #tpu.memory_space<hbm>> -> memref<8192x1024xf32, #tpu.memory_space<hbm>>
    tpu.enqueue_indirect_dma source(%dma_start3A_28 : memref<8192x1024xf32, #tpu.memory_space<hbm>>) target(%dma_start3A_22 : memref<32x1024xf32, #tpu.memory_space<vmem>>) offsets(%dma_start3A_25 : memref<32xi32, #tpu.memory_space<vmem>>) semaphore(%arg7 : memref<!tpu.dma_semaphore, #tpu.memory_space<semaphore_mem>>)
    %scan3A = arith.constant 0 : i32
    %scan3A_29 = arith.constant 0 : i32
    %scan3A_30 = arith.constant 32 : i32
    %scan3A_31 = arith.addi %scan3A_29, %scan3A_30 : i32
    %scan3A_32 = arith.constant 1 : i32
    scf.for %scan3A_50 = %scan3A_29 to %scan3A_31 step %scan3A_32  : i32 {
      %rem3A_51 = arith.constant 3 : i32
      %rem3A_52 = arith.remsi %scan3A_50, %rem3A_51 : i32
      %dma_wait3A_53 = arith.constant 0 : i32
      %dma_wait3A_54 = arith.constant 0 : i32
      %dma_wait3A_55 = tpu.memref_slice %arg6[%rem3A_52, %dma_wait3A_53, %dma_wait3A_54] : memref<3x32x1024xf32, #tpu.memory_space<vmem>> -> memref<1x32x1024xf32, #tpu.memory_space<vmem>>
      %dma_wait3A_56 = tpu.memref_squeeze %dma_wait3A_55 : memref<1x32x1024xf32, #tpu.memory_space<vmem>> -> memref<32x1024xf32, #tpu.memory_space<vmem>>
      %dma_wait3A_57 = arith.constant 0 : i32
      %dma_wait3A_58 = tpu.memref_slice %arg5[%scan3A_50, %dma_wait3A_57] : memref<32x32xi32, #tpu.memory_space<vmem>> -> memref<1x32xi32, #tpu.memory_space<vmem>>
      %dma_wait3A_59 = tpu.memref_squeeze %dma_wait3A_58 : memref<1x32xi32, #tpu.memory_space<vmem>> -> memref<32xi32, #tpu.memory_space<vmem>>
      %dma_wait3A_60 = arith.constant 0 : i32
      %dma_wait3A_61 = arith.constant 0 : i32
      %dma_wait3A_62 = tpu.memref_slice %arg3[%dma_wait3A_60, %dma_wait3A_61] : memref<8192x1024xf32, #tpu.memory_space<hbm>> -> memref<8192x1024xf32, #tpu.memory_space<hbm>>
      tpu.wait_indirect_dma semaphore(%arg7 : memref<!tpu.dma_semaphore, #tpu.memory_space<semaphore_mem>>) src(%dma_wait3A_62 : memref<8192x1024xf32, #tpu.memory_space<hbm>>) dst(%dma_wait3A_56 : memref<32x1024xf32, #tpu.memory_space<vmem>>)
      %ge3A = arith.constant 1 : i32
      %ge3A_63 = arith.cmpi sge, %scan3A_50, %ge3A : i32
      %convert_element_type3A = arith.extui %ge3A_63 : i1 to i32
      %cond3A = arith.constant 0 : i32
      %cond3A_64 = arith.cmpi ne, %convert_element_type3A, %cond3A : i32
      scf.if %cond3A_64 {
        %sub3A = arith.constant 1 : i32
        %sub3A_88 = arith.subi %scan3A_50, %sub3A : i32
        %rem3A_89 = arith.constant 3 : i32
        %rem3A_90 = arith.remsi %sub3A_88, %rem3A_89 : i32
        %mul3A_91 = arith.constant 32 : i32
        %mul3A_92 = arith.muli %sub3A_88, %mul3A_91 : i32
        %add3A_93 = arith.addi %mul3A_2, %mul3A_92 : i32
        %dma_wait3A_94 = arith.constant 0 : i32
        %dma_wait3A_95 = arith.constant 0 : i32
        %dma_wait3A_96 = tpu.memref_slice %arg6[%rem3A_90, %dma_wait3A_94, %dma_wait3A_95] : memref<3x32x1024xf32, #tpu.memory_space<vmem>> -> memref<1x32x1024xf32, #tpu.memory_space<vmem>>
        %dma_wait3A_97 = tpu.memref_squeeze %dma_wait3A_96 : memref<1x32x1024xf32, #tpu.memory_space<vmem>> -> memref<32x1024xf32, #tpu.memory_space<vmem>>
        %dma_wait3A_98 = arith.constant 0 : i32
        %dma_wait3A_99 = tpu.memref_slice %arg4[%add3A_93, %dma_wait3A_98] : memref<32768x1024xf32, #tpu.memory_space<hbm>> -> memref<32x1024xf32, #tpu.memory_space<hbm>>
        %dma_wait3A_100 = arith.constant 0 : i32
        %dma_wait3A_101 = tpu.memref_slice %arg4[%add3A_93, %dma_wait3A_100] : memref<32768x1024xf32, #tpu.memory_space<hbm>> -> memref<32x1024xf32, #tpu.memory_space<hbm>>
        %dma_wait3A_102 = arith.constant 0 : i32
        %dma_wait3A_103 = arith.constant 0 : i32
        %dma_wait3A_104 = tpu.memref_slice %arg6[%rem3A_90, %dma_wait3A_102, %dma_wait3A_103] : memref<3x32x1024xf32, #tpu.memory_space<vmem>> -> memref<1x32x1024xf32, #tpu.memory_space<vmem>>
        %dma_wait3A_105 = tpu.memref_squeeze %dma_wait3A_104 : memref<1x32x1024xf32, #tpu.memory_space<vmem>> -> memref<32x1024xf32, #tpu.memory_space<vmem>>
        tpu.wait_dma2 semaphore(%arg8 : memref<!tpu.dma_semaphore, #tpu.memory_space<semaphore_mem>>) src(%dma_wait3A_105 : memref<32x1024xf32, #tpu.memory_space<vmem>>) dst(%dma_wait3A_101 : memref<32x1024xf32, #tpu.memory_space<hbm>>)
      } else {
      }
      %add3A_65 = arith.constant 2 : i32
      %add3A_66 = arith.addi %scan3A_50, %add3A_65 : i32
      %lt3A = arith.constant 32 : i32
      %lt3A_67 = arith.cmpi slt, %add3A_66, %lt3A : i32
      %convert_element_type3A_68 = arith.extui %lt3A_67 : i1 to i32
      %cond3A_69 = arith.constant 0 : i32
      %cond3A_70 = arith.cmpi ne, %convert_element_type3A_68, %cond3A_69 : i32
      scf.if %cond3A_70 {
        %add3A_88 = arith.constant 2 : i32
        %add3A_89 = arith.addi %scan3A_50, %add3A_88 : i32
        %rem3A_90 = arith.constant 3 : i32
        %rem3A_91 = arith.remsi %add3A_89, %rem3A_90 : i32
        %dma_start3A_92 = arith.constant 0 : i32
        %dma_start3A_93 = arith.constant 0 : i32
        %dma_start3A_94 = tpu.memref_slice %arg6[%rem3A_91, %dma_start3A_92, %dma_start3A_93] : memref<3x32x1024xf32, #tpu.memory_space<vmem>> -> memref<1x32x1024xf32, #tpu.memory_space<vmem>>
        %dma_start3A_95 = tpu.memref_squeeze %dma_start3A_94 : memref<1x32x1024xf32, #tpu.memory_space<vmem>> -> memref<32x1024xf32, #tpu.memory_space<vmem>>
        %dma_start3A_96 = arith.constant 0 : i32
        %dma_start3A_97 = tpu.memref_slice %arg5[%add3A_89, %dma_start3A_96] : memref<32x32xi32, #tpu.memory_space<vmem>> -> memref<1x32xi32, #tpu.memory_space<vmem>>
        %dma_start3A_98 = tpu.memref_squeeze %dma_start3A_97 : memref<1x32xi32, #tpu.memory_space<vmem>> -> memref<32xi32, #tpu.memory_space<vmem>>
        %dma_start3A_99 = arith.constant 0 : i32
        %dma_start3A_100 = arith.constant 0 : i32
        %dma_start3A_101 = tpu.memref_slice %arg3[%dma_start3A_99, %dma_start3A_100] : memref<8192x1024xf32, #tpu.memory_space<hbm>> -> memref<8192x1024xf32, #tpu.memory_space<hbm>>
        tpu.enqueue_indirect_dma source(%dma_start3A_101 : memref<8192x1024xf32, #tpu.memory_space<hbm>>) target(%dma_start3A_95 : memref<32x1024xf32, #tpu.memory_space<vmem>>) offsets(%dma_start3A_98 : memref<32xi32, #tpu.memory_space<vmem>>) semaphore(%arg7 : memref<!tpu.dma_semaphore, #tpu.memory_space<semaphore_mem>>)
      } else {
      }
      %rem3A_71 = arith.constant 3 : i32
      %rem3A_72 = arith.remsi %scan3A_50, %rem3A_71 : i32
      %mul3A_73 = arith.constant 32 : i32
      %mul3A_74 = arith.muli %scan3A_50, %mul3A_73 : i32
      %add3A_75 = arith.addi %mul3A_2, %mul3A_74 : i32
      %dma_start3A_76 = arith.constant 0 : i32
      %dma_start3A_77 = arith.constant 0 : i32
      %dma_start3A_78 = tpu.memref_slice %arg6[%rem3A_72, %dma_start3A_76, %dma_start3A_77] : memref<3x32x1024xf32, #tpu.memory_space<vmem>> -> memref<1x32x1024xf32, #tpu.memory_space<vmem>>
      %dma_start3A_79 = tpu.memref_squeeze %dma_start3A_78 : memref<1x32x1024xf32, #tpu.memory_space<vmem>> -> memref<32x1024xf32, #tpu.memory_space<vmem>>
      %dma_start3A_80 = arith.constant 0 : i32
      %dma_start3A_81 = tpu.memref_slice %arg4[%add3A_75, %dma_start3A_80] : memref<32768x1024xf32, #tpu.memory_space<hbm>> -> memref<32x1024xf32, #tpu.memory_space<hbm>>
      %dma_start3A_82 = arith.constant 0 : i32
      %dma_start3A_83 = tpu.memref_slice %arg4[%add3A_75, %dma_start3A_82] : memref<32768x1024xf32, #tpu.memory_space<hbm>> -> memref<32x1024xf32, #tpu.memory_space<hbm>>
      %dma_start3A_84 = arith.constant 0 : i32
      %dma_start3A_85 = arith.constant 0 : i32
      %dma_start3A_86 = tpu.memref_slice %arg6[%rem3A_72, %dma_start3A_84, %dma_start3A_85] : memref<3x32x1024xf32, #tpu.memory_space<vmem>> -> memref<1x32x1024xf32, #tpu.memory_space<vmem>>
      %dma_start3A_87 = tpu.memref_squeeze %dma_start3A_86 : memref<1x32x1024xf32, #tpu.memory_space<vmem>> -> memref<32x1024xf32, #tpu.memory_space<vmem>>
      tpu.enqueue_dma source(%dma_start3A_87 : memref<32x1024xf32, #tpu.memory_space<vmem>>) target(%dma_start3A_83 : memref<32x1024xf32, #tpu.memory_space<hbm>>) target_semaphore(%arg8 : memref<!tpu.dma_semaphore, #tpu.memory_space<semaphore_mem>>)
    }
    %scan3A_33 = arith.constant 32 : i32
    %rem3A_34 = arith.constant 31 : i32
    %rem3A_35 = arith.constant 3 : i32
    %rem3A_36 = arith.remsi %rem3A_34, %rem3A_35 : i32
    %add3A_37 = arith.constant 992 : i32
    %add3A_38 = arith.addi %mul3A_2, %add3A_37 : i32
    %dma_wait3A = arith.constant 0 : i32
    %dma_wait3A_39 = arith.constant 0 : i32
    %dma_wait3A_40 = tpu.memref_slice %arg6[%rem3A_36, %dma_wait3A, %dma_wait3A_39] : memref<3x32x1024xf32, #tpu.memory_space<vmem>> -> memref<1x32x1024xf32, #tpu.memory_space<vmem>>
    %dma_wait3A_41 = tpu.memref_squeeze %dma_wait3A_40 : memref<1x32x1024xf32, #tpu.memory_space<vmem>> -> memref<32x1024xf32, #tpu.memory_space<vmem>>
    %dma_wait3A_42 = arith.constant 0 : i32
    %dma_wait3A_43 = tpu.memref_slice %arg4[%add3A_38, %dma_wait3A_42] : memref<32768x1024xf32, #tpu.memory_space<hbm>> -> memref<32x1024xf32, #tpu.memory_space<hbm>>
    %dma_wait3A_44 = arith.constant 0 : i32
    %dma_wait3A_45 = tpu.memref_slice %arg4[%add3A_38, %dma_wait3A_44] : memref<32768x1024xf32, #tpu.memory_space<hbm>> -> memref<32x1024xf32, #tpu.memory_space<hbm>>
    %dma_wait3A_46 = arith.constant 0 : i32
    %dma_wait3A_47 = arith.constant 0 : i32
    %dma_wait3A_48 = tpu.memref_slice %arg6[%rem3A_36, %dma_wait3A_46, %dma_wait3A_47] : memref<3x32x1024xf32, #tpu.memory_space<vmem>> -> memref<1x32x1024xf32, #tpu.memory_space<vmem>>
    %dma_wait3A_49 = tpu.memref_squeeze %dma_wait3A_48 : memref<1x32x1024xf32, #tpu.memory_space<vmem>> -> memref<32x1024xf32, #tpu.memory_space<vmem>>
    tpu.wait_dma2 semaphore(%arg8 : memref<!tpu.dma_semaphore, #tpu.memory_space<semaphore_mem>>) src(%dma_wait3A_49 : memref<32x1024xf32, #tpu.memory_space<vmem>>) dst(%dma_wait3A_45 : memref<32x1024xf32, #tpu.memory_space<hbm>>)
    return
  }
}

</mosaic_0001>

<sc_bundles>
// kernel: _positional_encoding.3.cloned.1.call-start
scs
__scs_entry_jumppad:
0x0: {  	(pc) =	sbr.rel $0x88, $3  }
0x1: {  	(tag) =	ssettag $0x0;
	lr =	simm.s32 $0x1  }
0x2: {  	[smem:$0x3F9F] =	sst lr;
	_ =	strace $0xD0000000  }
0x3: {  	_ = 	snop  }
0x4: {  	_ = 	snop  }
0x5: {  	_ = 	snop  }
0x6: {  	_ = 	snop  }
0x7: {  	_ = 	snop  }
__scs_overlays_trampoline_lowered:
0x8: {  	[smem:$0x3FAE] =	sst s0  }
0x9: {  	[smem:$0x3FAF] =	sst s1  }
0xa: {  	[smem:$0x3FB0] =	sst s2  }
0xb: {  	[smem:$0x3FB1] =	sst s3  }
0xc: {  	[smem:$0x3FB2] =	sst s4  }
0xd: {  	[smem:$0x3FB3] =	sst s5  }
0xe: {  	[smem:$0x3FB4] =	sst s6  }
0xf: {  	[smem:$0x3FB5] =	sst s7  }
0x10: {  	[smem:$0x3FB6] =	sst s8  }
0x11: {  	[smem:$0x3FB7] =	sst s9;
	s0 =	simm.s32 @!p0 $0x0  }
0x12: {  	s1 =	sld [smem:$0x3F9D];
	s0 =	simm.s32 @p0 $0x1  }
0x13: {  	[smem:$0x3FB8] =	sst s0;
	s0 =	simm.s32 @!p1 $0x0  }
0x14: {  	s2 =	sld [smem:$0x3F9C];
	s0 =	simm.s32 @p1 $0x1  }
0x15: {  	[smem:$0x3FB9] =	sst s0;
	s0 =	simm.s32 @!p2 $0x0  }
0x16: {  	s3 =	sld [smem:$0x3FDB];
	s0 =	simm.s32 @p2 $0x1  }
0x17: {  	s4 =	simm.s32 $0x1BF5;
	[smem:$0x3FBB] =	sst s0  }
0x18: {  	s0 =	sld [smem:$0x3F9E];
	_ =	swait.ge [sflag:s4], $0x0  }
0x19: {  	s7 =	sld [smem:$0x3F9F]  }
0x1a: {  	s8 =	sadd.s32 $0xFFFFE003, lr  }
0x1b: {  	s9 =	sadd.s32 $0xFFFFFEF7, lr;
	s5 =	simm.s32 $0xFFFFFFFF;
	p2 =	slt.u32 s8, $0xFFFFF086  }
0x1c: {  	p1 =	slt.u32 s9, $0xF7A;
	s5 =	simm.s32 @!p2 $0x0  }
0x1d: {  	s5 =	simm.s32 @p1 $0x1;
	p0 =	seq.s32 s7, s2  }
0x1e: {  	s7 =	smul.u32 @!p0 $0xF7A, s2;
	p2 =	seq.s32 @!p0 s5, $0x0  }
0x1f: {  	s9 =	smul.u32 $0xF7A, s1;
	s8 =	simm.s32 @!p0 $0x1BF5;
	p2 =	por !p2, p0  }
0x20: {  	[sflag:s8] =	ssyncset.s32 @!p0 $0xFFFFF086;
	s6 =	sadd.s32 @!p0 s3, s7;
	s7 =	simm.s32 @!p0 $0x108  }
0x21: {  	s3 =	sadd.s32 s3, s9;
	s6 =	sadd.s32 @!p0 $0x88, s6;
	s7 =	simm.s32 @p2 $0x1082  }
0x22: {  	[simem:s7], [sflag:s8] =	dma.local @!p0 [hbm:s6], $0xF7A  }
0x23: {  	s9 =	sor.u32 $0xD0000000, s2;
	s6 =	simm.s32 $0x108;
	_ =	swait.ge @!p0 [sflag:s8], $0x0  }
0x24: {  	s3 =	sadd.s32 $0x88, s3;
	s6 =	simm.s32 @!p1 $0x1082;
	[sflag:s4] =	ssyncset.s32 $0xFFFFF086  }
0x25: {  	[simem:s6], [sflag:s4] =	dma.local [hbm:s3], $0xF7A  }
0x26: {  	[smem:$0x3F9F] =	sst s1;
	(tag) =	ssettag s2;
	_ =	strace s9  }
0x27: {  	s1 =	sld [smem:$0x3FAF]  }
0x28: {  	s2 =	sld [smem:$0x3FB0]  }
0x29: {  	s4 =	sld [smem:$0x3FB2]  }
0x2a: {  	p0 =	seq.s32 s5, $0x0;
	s5 =	sld [smem:$0x3FB3]  }
0x2b: {  	s6 =	sld [smem:$0x3FB4]  }
0x2c: {  	s7 =	sld [smem:$0x3FB5]  }
0x2d: {  	s3 =	simm.s32 $0x108;
	s8 =	sld [smem:$0x3FB6]  }
0x2e: {  	s3 =	simm.s32 @!p0 $0x1082;
	s9 =	sld [smem:$0x3FB7]  }
0x2f: {  	lr =	sadd.s32 s0, s3;
	s0 =	sld [smem:$0x3FAE]  }
0x30: {  	s3 =	sld [smem:$0x3FB1]  }
0x31: {  	[smem:$0x3FBA] =	sst s10  }
0x32: {  	s10 =	sld [smem:$0x3FB8];
	_ =	sdelay $0x3  }
0x33: {  	p0 =	seq.s32 s10, $0x1;
	s10 =	sld [smem:$0x3FBA];
	_ =	sdelay $0x3  }
0x34: {  	[smem:$0x3FBA] =	sst s10  }
0x35: {  	s10 =	sld [smem:$0x3FB9];
	_ =	sdelay $0x3  }
0x36: {  	p1 =	seq.s32 s10, $0x1;
	s10 =	sld [smem:$0x3FBA];
	_ =	sdelay $0x3  }
0x37: {  	[smem:$0x3FBA] =	sst s10  }
0x38: {  	s10 =	sld [smem:$0x3FBB]  }
0x39: {  	_ = 	snop;
	(pc) =	sbr.ind lr, $3  }
0x3a: {  	_ = 	snop  }
0x3b: {  	_ = 	snop  }
0x3c: {  	p2 =	seq.s32 s10, $0x1;
	s10 =	sld [smem:$0x3FBA]  }
0x3d: {  	_ =	shalt  }
0x3e: {  	_ =	shalt  }
0x3f: {  	_ =	shalt  }
0x40: {  	_ =	shalt  }
0x41: {  	_ =	shalt  }
0x42: {  	_ =	shalt  }
0x43: {  	_ =	shalt  }
0x44: {  	_ =	shalt  }
0x45: {  	_ =	shalt  }
0x46: {  	_ =	shalt  }
0x47: {  	_ =	shalt  }
0x48: {  	_ =	shalt  }
0x49: {  	_ =	shalt  }
0x4a: {  	_ =	shalt  }
0x4b: {  	_ =	shalt  }
0x4c: {  	_ =	shalt  }
0x4d: {  	_ =	shalt  }
0x4e: {  	_ =	shalt  }
0x4f: {  	_ =	shalt  }
0x50: {  	_ =	shalt  }
0x51: {  	_ =	shalt  }
0x52: {  	_ =	shalt  }
0x53: {  	_ =	shalt  }
0x54: {  	_ =	shalt  }
0x55: {  	_ =	shalt  }
0x56: {  	_ =	shalt  }
0x57: {  	_ =	shalt  }
0x58: {  	_ =	shalt  }
0x59: {  	_ =	shalt  }
0x5a: {  	_ =	shalt  }
0x5b: {  	_ =	shalt  }
0x5c: {  	_ =	shalt  }
0x5d: {  	_ =	shalt  }
0x5e: {  	_ =	shalt  }
0x5f: {  	_ =	shalt  }
0x60: {  	_ =	shalt  }
0x61: {  	_ =	shalt  }
0x62: {  	_ =	shalt  }
0x63: {  	_ =	shalt  }
0x64: {  	_ =	shalt  }
0x65: {  	_ =	shalt  }
0x66: {  	_ =	shalt  }
0x67: {  	_ =	shalt  }
0x68: {  	_ =	shalt  }
0x69: {  	_ =	shalt  }
0x6a: {  	_ =	shalt  }
0x6b: {  	_ =	shalt  }
0x6c: {  	_ =	shalt  }
0x6d: {  	_ =	shalt  }
0x6e: {  	_ =	shalt  }
0x6f: {  	_ =	shalt  }
0x70: {  	_ =	shalt  }
0x71: {  	_ =	shalt  }
0x72: {  	_ =	shalt  }
0x73: {  	_ =	shalt  }
0x74: {  	_ =	shalt  }
0x75: {  	_ =	shalt  }
0x76: {  	_ =	shalt  }
0x77: {  	_ =	shalt  }
0x78: {  	_ =	shalt  }
0x79: {  	_ =	shalt  }
0x7a: {  	_ =	shalt  }
0x7b: {  	_ =	shalt  }
0x7c: {  	_ =	shalt  }
0x7d: {  	_ =	shalt  }
0x7e: {  	_ =	shalt  }
0x7f: {  	_ =	shalt  }
0x80: {  	_ =	shalt  }
0x81: {  	_ =	shalt  }
0x82: {  	_ =	shalt  }
0x83: {  	_ =	shalt  }
0x84: {  	_ =	shalt  }
0x85: {  	_ =	shalt  }
0x86: {  	_ =	shalt  }
0x87: {  	_ =	shalt  }
.Lfunc_end0:
.L_simem_size_0:
called_computation_lowered:
.L_overlay_start_0:
0x88: {  	s2 =	sld [smem:$0x3FD9]  }
0x89: {  	s3 =	sld [smem:$0x3FFE];
	_ =	sdelay $0x1  }
0x8a: {  	s1 =	srdreg.scid  }
0x8b: {  	s0 =	sand.u32 $0x1, s1  }
0x8c: {  	s18 =	sshll.u32 s0, $0xA;
	s2 =	sadd.s32 s3, s2  }
0x8d: {  	s2 =	sadd.s32 s2, s18  }
0x8e: {  	[smem:$0x3FC6] =	sst s2  }
0x8f: {  	_ = 	snop  }
0x90: {  	s2 =	sld [smem:$0x3FC9]  }
0x91: {  	s19 =	sld [smem:$0x3FC8]  }
0x92: {  	s4 =	sld [smem:$0x3FD0];
	(tm) =	ssettm $0x1  }
0x93: {  	s5 =	sld [smem:$0x3FFB];
	_ =	sdelay $0x3  }
0x94: {  	_ =	strace s5  }
0x95: {  	s5 =	sld [smem:$0x3FFC];
	_ =	sdelay $0x3  }
0x96: {  	_ =	strace s5  }
0x97: {  	s5 =	sld [smem:$0x3FFD];
	_ =	sdelay $0x3  }
0x98: {  	_ =	strace s5  }
0x99: {  	_ =	strace $0x8FFFFFFF  }
0x9a: {  	s20 =	sld [smem:$0x3FDB];
	_ =	sdelay $0x1  }
0x9b: {  	s6 =	simm.s32 $_scs_section_size  }
0x9c: {  	s7 =	simm.s32 $_size__tile_overlayer_lowered;
	s8 =	simm.s32 $_tile_overlayer_lowered  }
0x9d: {  	s23 =	simm.s32 $0x1BFF;
	s22 =	sshll.u32 s8, $0x1;
	s5 =	sadd.s32 s6, s20  }
0x9e: {  	s9 =	simm.s32 $0x0;
	s21 =	sshll.u32 s7, $0x1;
	s7 =	sadd.s32 s22, s5  }
0x9f: {  	[timem:s9], [sflag:s23] =	dma.local [hbm:s7], s21  }
0xa0: {  	_ =	swait.ge [sflag:s23], s21  }
0xa1: {  	s6 =	ssub.s32 $0x0, s21;
	[sflag:s23] =	ssyncset.done $0x0  }
0xa2: {  	[sflag:s23] =	ssyncadd.s32 s6;
	_ =	sdelay $0x1  }
0xa3: {  	s24 =	simm.s32 $0x1B8B  }
0xa4: {  	_ =	swait.ge [sflag:s24], $0x1  }
0xa5: {  	[sflag:s24] =	ssyncset.done $0x0  }
0xa6: {  	s25 =	simm.s32 $0x1B8E;
	[sflag:s24] =	ssyncadd.s32 $0xFFFFFFFF  }
0xa7: {  	s26 =	simm.s32 $execute0_lowered;
	[smem:$0x3FD2] =	sst s25  }
0xa8: {  	s6 =	sshll.u32 s26, $0x1;
	_ =	strace $0x80000046;
	[dreg:$0x1] =	wrdreg $0xFFFFFFFF  }
0xa9: {  	s28 =	simm.s32 $_size_execute0_lowered;
	s5 =	sadd.s32 s5, s6;
	[dreg:$0x0] =	wrdreg $0x0  }
0xaa: {  	s6 =	sshll.u32 s28, $0x1;
	[dreg:$0x2] =	wrdreg s5  }
0xab: {  	[dreg:$0x3] =	wrdreg s6  }
0xac: {  	[dreg:$0x4] =	wrdreg $0xC0  }
0xad: {  	_ =	task [dreg:s9], $0x5FFFF  }
0xae: {  	[dreg:$0x1] =	wrdreg $0xFFFFFFFF  }
0xaf: {  	[dreg:$0x0] =	wrdreg $0x60  }
0xb0: {  	[dreg:$0x2] =	wrdreg s2  }
0xb1: {  	[dreg:$0x3] =	wrdreg s19  }
0xb2: {  	[dreg:$0x4] =	wrdreg s4  }
0xb3: {  	[dreg:$0x5] =	wrdreg $0x9  }
0xb4: {  	_ =	task.clear_ibuf [dreg:s9], $0x6FFFF;
	_ =	strace $0x90000046  }
0xb5: {  	s29 =	simm.s32 $0x9;
	_ =	strace $0x80000048  }
0xb6: {  	_ =	swait.ge [sflag:s29], $0x1  }
0xb7: {  	[sflag:s29] =	ssyncadd.s32 $0xFFFFFFFF  }
0xb8: {  	_ =	strace $0x90000048  }
0xb9: {  	_ =	sfence  }
0xba: {  	s30 =	sld [smem:$0x0];
	_ =	sdelay $0x2  }
0xbb: {  	s31 =	sshll.u32 s1, $0xD;
	s1 =	sshrl.u32 s1, $0x2  }
0xbc: {  	s3 =	sand.u32 $0x4000, s31;
	s1 =	sadd.s32 s1, s30  }
0xbd: {  	s0 =	sor.u32 s3, s0;
	s1 =	sshll.u32 s1, $0x11  }
0xbe: {  	s0 =	sor.u32 s1, s0  }
0xbf: {  	s0 =	sadd.s32 $0x8F2B, s0  }
0xc0: {  	[sflag:s0] =	ssyncadd.remote.s32 $0x1  }
0xc1: {  	_ =	sfence.sel $0xFFFF  }
0xc2: {  	[dreg:$0x0] =	wrdreg $0xFFFFFFFF;
	(pc) =	sbr.abs _section_cstart, $3  }
0xc3: {  	[dreg:$0x1] =	wrdreg $0xFFFFFFFF  }
0xc4: {  	_ =	task.clear_ibuf [dreg:s9], $0x2FFFF;
	_ =	strace $0x9FFFFFFF  }
0xc5: {  	(tm) =	ssettm $0x7FFFFFFF  }
tec
execute0_lowered:
.L_overlay_start_1:
0x0: {  	(tag) =	ssettag $0x1  }
0x1: {  	s0 =	rddreg [dreg:$0x0]  }
0x2: {  	s1 =	rddreg [dreg:$0x1]  }
0x3: {  	s2 =	rddreg [dreg:$0x2];
	s4 =	srdreg.scid  }
0x4: {  	s3 =	simm.s32 $0x0;
	s10 =	stileid.u32;
	s30 =	simm.s32 $0xA000  }
0x5: {  	s31 =	simm.s32 $0xA800;
	s11 =	simm.s32 $0xC000;
	s12 =	simm.s32 $0xC800  }
0x6: {  	s13 =	simm.s32 $0xD000;
	s14 =	simm.s32 $0xD800;
	s15 =	simm.s32 $0xE000  }
0x7: {  	s16 =	simm.s32 $0xE800;
	s17 =	simm.s32 $0xF000;
	s18 =	simm.s32 $0xF800  }
0x8: {  	s19 =	simm.s32 $0x10000;
	s20 =	simm.s32 $0x10800;
	s21 =	simm.s32 $0x1  }
0x9: {  	s22 =	simm.s32 $0x2;
	s23 =	simm.s32 $0x0;
	s7 =	sand.u32 $0x1, s4  }
0xa: {  	[smem:$0x7FF] =	sst s3;
	s6 =	sshll.u32 s10, $0xA;
	s28 =	sshll.u32 s10, $0x12  }
0xb: {  	s10 =	simm.s32 $0x3;
	s4 =	ssub.s32 $0x2, s7;
	s8 =	sshll.u32 s7, $0x9  }
.Ltmp0:
0xc: {  	_ =	strace $0x80000047;
	s29 =	sshll.u32 s7, $0x11;
	(pc) =	sbr.rel .LBB2_1-.Ltmp0, $4  }
0xd: {  	s7 =	sadd.s32 $0x300, s1;
	s5 =	sshrl.u32 s4, $0x1;
	s26 =	sor.u32 s8, s6  }
0xe: {  	v2 =	vlaneseq.u32;
	s6 =	sadd.s32 $0x200, s1;
	s9 =	ssub.s32 s4, s5;
	s4 =	sadd.s32 s0, s26  }
0xf: {  	vm0 =	vmmov $0xffff;
	v1 =	vshrl.u32 v2, $0x3;
	s5 =	sadd.s32 $0x100, s1;
	s0 =	sadd.s32 s28, s2;
	s2 =	simm.s32 $0xB800  }
0x10: {  	v0 =	vand.u32 $0x7, v2;
	v2 =	vor.u32 $0x8, v2;
	v1 =	vmul.u32 $0x8, v1;
	s8 =	smax.u32 s9, $0x1;
	s25 =	sadd.s32 s29, s0;
	s0 =	simm.s32 $0xB000  }
.LBB2_5:
0x11: {  	s23 =	sadd.s32 $0x1, s23  }
0x12: {  	p0 =	sne.s32 s23, s8  }
.Ltmp1:
0x13: {  	_ = 	snop;
	(pc) =	sbr.rel @!p0 .LBB2_6-.Ltmp1, $4  }
0x14: {  	_ = 	snop  }
0x15: {  	_ =	swait.ge [sflag:s22], $0x8000  }
0x16: {  	[sflag:s22] =	ssyncset.done $0x0  }
0x17: {  	[sflag:s22] =	ssyncadd.s32 $0xFFFF8000  }
.LBB2_1:
0x18: {  	[tilespmem:s3], [sflag:$0x3] =	stream.linear.gather [hbm4b:s4+s3], $0x1000, $0x38;
	[tilespmem:$0x19000] =	vst v63  }
0x19: {  	_ =	swait.ge [sflag:s10], $0x1000  }
0x1a: {  	[sflag:s10] =	ssyncset.done $0x0  }
0x1b: {  	[sflag:s10] =	ssyncadd.s32 $0xFFFFF000  }
0x1c: {  	v3 =	vld [tilespmem:$0x0];
	_ =	sdelay $0x4  }
0x1d: {  	v4 =	vshll.u32 v3, $0x3  }
0x1e: {  	v3 =	vand.u32 $0x7, v3;
	v4 =	vand.u32 $0xFFFFFFC0, v4  }
0x1f: {  	v3 =	vor.u32 v3, v4  }
0x20: {  	v4 =	vperm.xlane v3, v0;
	_ =	sdelay $0x1  }
0x21: {  	v4 =	vadd.s32 v1, v4;
	_ =	sdelay $0x3  }
0x22: {  	s9 =	simm.s32 $0x1000  }
0x23: {  	[tilespmem:s9], [sflag:$0x1] =	stream.indirect_vreg.gather [hbm4b:s1+s3], $0x80, v4, vm0, $0xb8;
	[tilespmem:$0x19000] =	vst v63  }
0x24: {  	s29 =	simm.s32 $0x1800;
	v3 =	vperm.xlane v3, v2  }
0x25: {  	[tilespmem:s29], [sflag:$0x1] =	stream.indirect_vreg.gather [hbm4b:s5+s3], $0x80, v4, vm0, $0xb8;
	[tilespmem:$0x19000] =	vst v63  }
0x26: {  	s24 =	simm.s32 $0x2000;
	v3 =	vadd.s32 v1, v3  }
0x27: {  	[tilespmem:s24], [sflag:$0x1] =	stream.indirect_vreg.gather [hbm4b:s6+s3], $0x80, v4, vm0, $0xb8;
	[tilespmem:$0x19000] =	vst v63  }
0x28: {  	s26 =	simm.s32 $0x2800  }
0x29: {  	[tilespmem:s26], [sflag:$0x1] =	stream.indirect_vreg.gather [hbm4b:s7+s3], $0x80, v4, vm0, $0xb8;
	[tilespmem:$0x19000] =	vst v63  }
0x2a: {  	s28 =	simm.s32 $0x3000  }
0x2b: {  	[tilespmem:s28], [sflag:$0x1] =	stream.indirect_vreg.gather [hbm4b:s1+s3], $0x80, v3, vm0, $0xb8;
	[tilespmem:$0x19000] =	vst v63  }
0x2c: {  	s29 =	simm.s32 $0x3800  }
0x2d: {  	[tilespmem:s29], [sflag:$0x1] =	stream.indirect_vreg.gather [hbm4b:s5+s3], $0x80, v3, vm0, $0xb8;
	[tilespmem:$0x19000] =	vst v63  }
0x2e: {  	s24 =	simm.s32 $0x4000  }
0x2f: {  	[tilespmem:s24], [sflag:$0x1] =	stream.indirect_vreg.gather [hbm4b:s6+s3], $0x80, v3, vm0, $0xb8;
	[tilespmem:$0x19000] =	vst v63  }
0x30: {  	s26 =	simm.s32 $0x4800  }
0x31: {  	[tilespmem:s26], [sflag:$0x1] =	stream.indirect_vreg.gather [hbm4b:s7+s3], $0x80, v3, vm0, $0xb8;
	[tilespmem:$0x19000] =	vst v63  }
0x32: {  	v3 =	vld [tilespmem:$0x10];
	_ =	sdelay $0x4  }
0x33: {  	v61 =	vshll.u32 v3, $0x3  }
0x34: {  	v3 =	vand.u32 $0x7, v3;
	v4 =	vand.u32 $0xFFFFFFC0, v61  }
0x35: {  	v3 =	vor.u32 v3, v4  }
0x36: {  	v4 =	vperm.xlane v3, v0;
	_ =	sdelay $0x1  }
0x37: {  	v4 =	vadd.s32 v1, v4;
	_ =	sdelay $0x3  }
0x38: {  	s28 =	simm.s32 $0x5000  }
0x39: {  	[tilespmem:s28], [sflag:$0x1] =	stream.indirect_vreg.gather [hbm4b:s1+s3], $0x80, v4, vm0, $0xb8;
	[tilespmem:$0x19000] =	vst v63  }
0x3a: {  	s29 =	simm.s32 $0x5800;
	v3 =	vperm.xlane v3, v2  }
0x3b: {  	[tilespmem:s29], [sflag:$0x1] =	stream.indirect_vreg.gather [hbm4b:s5+s3], $0x80, v4, vm0, $0xb8;
	[tilespmem:$0x19000] =	vst v63  }
0x3c: {  	s24 =	simm.s32 $0x6000;
	v3 =	vadd.s32 v1, v3  }
0x3d: {  	[tilespmem:s24], [sflag:$0x1] =	stream.indirect_vreg.gather [hbm4b:s6+s3], $0x80, v4, vm0, $0xb8;
	[tilespmem:$0x19000] =	vst v63  }
0x3e: {  	s26 =	simm.s32 $0x6800  }
0x3f: {  	[tilespmem:s26], [sflag:$0x1] =	stream.indirect_vreg.gather [hbm4b:s7+s3], $0x80, v4, vm0, $0xb8;
	[tilespmem:$0x19000] =	vst v63  }
0x40: {  	s28 =	simm.s32 $0x7000  }
0x41: {  	[tilespmem:s28], [sflag:$0x1] =	stream.indirect_vreg.gather [hbm4b:s1+s3], $0x80, v3, vm0, $0xb8;
	[tilespmem:$0x19000] =	vst v63  }
0x42: {  	s29 =	simm.s32 $0x7800  }
0x43: {  	[tilespmem:s29], [sflag:$0x1] =	stream.indirect_vreg.gather [hbm4b:s5+s3], $0x80, v3, vm0, $0xb8;
	[tilespmem:$0x19000] =	vst v63  }
0x44: {  	s24 =	simm.s32 $0x8000  }
0x45: {  	[tilespmem:s24], [sflag:$0x1] =	stream.indirect_vreg.gather [hbm4b:s6+s3], $0x80, v3, vm0, $0xb8;
	[tilespmem:$0x19000] =	vst v63  }
0x46: {  	s26 =	simm.s32 $0x8800  }
0x47: {  	[tilespmem:s26], [sflag:$0x1] =	stream.indirect_vreg.gather [hbm4b:s7+s3], $0x80, v3, vm0, $0xb8;
	[tilespmem:$0x19000] =	vst v63  }
0x48: {  	v3 =	vld [tilespmem:$0x80];
	_ =	sdelay $0x4  }
0x49: {  	v62 =	vshll.u32 v3, $0x3  }
0x4a: {  	v3 =	vand.u32 $0x7, v3;
	v4 =	vand.u32 $0xFFFFFFC0, v62  }
0x4b: {  	v3 =	vor.u32 v3, v4  }
0x4c: {  	v4 =	vperm.xlane v3, v0;
	_ =	sdelay $0x1  }
0x4d: {  	v4 =	vadd.s32 v1, v4;
	_ =	sdelay $0x3  }
0x4e: {  	s28 =	simm.s32 $0x9000  }
0x4f: {  	[tilespmem:s28], [sflag:$0x1] =	stream.indirect_vreg.gather [hbm4b:s1+s3], $0x80, v4, vm0, $0xb8;
	[tilespmem:$0x19000] =	vst v63  }
0x50: {  	s29 =	simm.s32 $0x9800;
	v3 =	vperm.xlane v3, v2  }
0x51: {  	[tilespmem:s29], [sflag:$0x1] =	stream.indirect_vreg.gather [hbm4b:s5+s3], $0x80, v4, vm0, $0xb8;
	[tilespmem:$0x19000] =	vst v63  }
0x52: {  	v3 =	vadd.s32 v1, v3  }
0x53: {  	[tilespmem:s30], [sflag:$0x1] =	stream.indirect_vreg.gather [hbm4b:s6+s3], $0x80, v4, vm0, $0xb8;
	[tilespmem:$0x19000] =	vst v63  }
0x54: {  	_ = 	snop  }
0x55: {  	[tilespmem:s31], [sflag:$0x1] =	stream.indirect_vreg.gather [hbm4b:s7+s3], $0x80, v4, vm0, $0xb8;
	[tilespmem:$0x19000] =	vst v63  }
0x56: {  	_ = 	snop  }
0x57: {  	[tilespmem:s0], [sflag:$0x1] =	stream.indirect_vreg.gather [hbm4b:s1+s3], $0x80, v3, vm0, $0xb8;
	[tilespmem:$0x19000] =	vst v63  }
0x58: {  	_ = 	snop  }
0x59: {  	[tilespmem:s2], [sflag:$0x1] =	stream.indirect_vreg.gather [hbm4b:s5+s3], $0x80, v3, vm0, $0xb8;
	[tilespmem:$0x19000] =	vst v63  }
0x5a: {  	_ = 	snop  }
0x5b: {  	[tilespmem:s11], [sflag:$0x1] =	stream.indirect_vreg.gather [hbm4b:s6+s3], $0x80, v3, vm0, $0xb8;
	[tilespmem:$0x19000] =	vst v63  }
0x5c: {  	_ = 	snop  }
0x5d: {  	[tilespmem:s12], [sflag:$0x1] =	stream.indirect_vreg.gather [hbm4b:s7+s3], $0x80, v3, vm0, $0xb8;
	[tilespmem:$0x19000] =	vst v63  }
0x5e: {  	v3 =	vld [tilespmem:$0x90];
	_ =	sdelay $0x4  }
0x5f: {  	v63 =	vshll.u32 v3, $0x3  }
0x60: {  	v3 =	vand.u32 $0x7, v3;
	v4 =	vand.u32 $0xFFFFFFC0, v63  }
0x61: {  	v3 =	vor.u32 v3, v4  }
0x62: {  	v4 =	vperm.xlane v3, v0;
	_ =	sdelay $0x1  }
0x63: {  	v4 =	vadd.s32 v1, v4;
	_ =	sdelay $0x4  }
0x64: {  	[tilespmem:s13], [sflag:$0x1] =	stream.indirect_vreg.gather [hbm4b:s1+s3], $0x80, v4, vm0, $0xb8;
	[tilespmem:$0x19000] =	vst v63  }
0x65: {  	v3 =	vperm.xlane v3, v2  }
0x66: {  	[tilespmem:s14], [sflag:$0x1] =	stream.indirect_vreg.gather [hbm4b:s5+s3], $0x80, v4, vm0, $0xb8;
	[tilespmem:$0x19000] =	vst v63  }
0x67: {  	v3 =	vadd.s32 v1, v3  }
0x68: {  	[tilespmem:s15], [sflag:$0x1] =	stream.indirect_vreg.gather [hbm4b:s6+s3], $0x80, v4, vm0, $0xb8;
	[tilespmem:$0x19000] =	vst v63  }
0x69: {  	_ = 	snop  }
0x6a: {  	[tilespmem:s16], [sflag:$0x1] =	stream.indirect_vreg.gather [hbm4b:s7+s3], $0x80, v4, vm0, $0xb8;
	[tilespmem:$0x19000] =	vst v63  }
0x6b: {  	_ = 	snop  }
0x6c: {  	[tilespmem:s17], [sflag:$0x1] =	stream.indirect_vreg.gather [hbm4b:s1+s3], $0x80, v3, vm0, $0xb8;
	[tilespmem:$0x19000] =	vst v63  }
0x6d: {  	_ = 	snop  }
0x6e: {  	[tilespmem:s18], [sflag:$0x1] =	stream.indirect_vreg.gather [hbm4b:s5+s3], $0x80, v3, vm0, $0xb8;
	[tilespmem:$0x19000] =	vst v63  }
.Ltmp2:
0x6f: {  	_ = 	snop;
	(pc) =	sbr.rel .LBB2_2-.Ltmp2, $4  }
0x70: {  	_ = 	snop  }
0x71: {  	[tilespmem:s19], [sflag:$0x1] =	stream.indirect_vreg.gather [hbm4b:s6+s3], $0x80, v3, vm0, $0xb8;
	[tilespmem:$0x19000] =	vst v63  }
0x72: {  	s9 =	smov.u32 s25;
	s24 =	simm.s32 $0x110;
	s26 =	simm.s32 $0x0  }
0x73: {  	[tilespmem:s20], [sflag:$0x1] =	stream.indirect_vreg.gather [hbm4b:s7+s3], $0x80, v3, vm0, $0xb8;
	[tilespmem:$0x19000] =	vst v63  }
.LBB2_4:
0x74: {  	s28 =	smul.u32 $0xAB, s26;
	_ =	sdelay $0x1  }
0x75: {  	s28 =	sshrl.u32 s28, $0x9  }
0x76: {  	s28 =	sand.u32 $0x7F, s28  }
0x77: {  	s28 =	smul.u32 $0x3, s28;
	_ =	sdelay $0x1  }
0x78: {  	s28 =	ssub.s32 s26, s28;
	s26 =	sadd.s32 $0x1, s26  }
0x79: {  	p0 =	sne.s32 s26, $0x20  }
.Ltmp3:
0x7a: {  	s28 =	sand.u32 $0xFF, s28;
	(pc) =	sbr.rel @!p0 .LBB2_5-.Ltmp3, $4  }
0x7b: {  	s28 =	sshll.u32 s28, $0xF  }
0x7c: {  	s28 =	sor.u32 $0x1000, s28  }
0x7d: {  	[hbm4b:s9+s3] =	stream.linear.scatter [tilespmem:s28], [sflag:$0x2], $0x8000, $0x38;
	[tilespmem:$0x19000] =	vst v63  }
0x7e: {  	s24 =	sadd.s32 $0x80, s24;
	s9 =	sadd.s32 $0x1000, s9  }
.LBB2_2:
0x7f: {  	p0 =	seq.s32 s26, $0x0  }
0x80: {  	p1 =	sgt.u32 @!p0 s26, $0x1D  }
0x81: {  	_ =	swait.ge [sflag:s21], $0x8000;
	p1 =	por p0, !p1  }
.Ltmp4:
0x82: {  	[sflag:s21] =	ssyncset.done $0x0;
	(pc) =	sbr.rel @!p1 .LBB2_4-.Ltmp4, $4  }
0x83: {  	s28 =	simm.s32 @!p0 $0x2;
	[sflag:s21] =	ssyncadd.s32 $0xFFFF8000  }
0x84: {  	_ =	swait.ge @!p0 [sflag:s28], $0x8000  }
0x85: {  	[sflag:s28] =	ssyncset.done @!p0 $0x0  }
0x86: {  	[sflag:s28] =	ssyncadd.s32 @!p0 $0xFFFF8000  }
0x87: {  	v3 =	vld [tilespmem:s24+$0xFFFFFFF0];
	_ =	sdelay $0x3  }
0x88: {  	s28 =	sadd.s32 $0x2, s26  }
0x89: {  	s29 =	smul.u32 $0xAB, s28;
	v4 =	vshll.u32 v3, $0x3  }
0x8a: {  	v3 =	vand.u32 $0x7, v3;
	v4 =	vand.u32 $0xFFFFFFC0, v4  }
0x8b: {  	s29 =	sshrl.u32 s29, $0x9;
	v3 =	vor.u32 v3, v4  }
0x8c: {  	s29 =	sand.u32 $0x7F, s29;
	v4 =	vperm.xlane v3, v0  }
0x8d: {  	s29 =	smul.u32 $0x3, s29  }
0x8e: {  	v4 =	vadd.s32 v1, v4  }
0x8f: {  	s28 =	ssub.s32 s28, s29  }
0x90: {  	s28 =	sand.u32 $0xFF, s28  }
0x91: {  	s28 =	sshll.u32 s28, $0xF  }
0x92: {  	s29 =	sor.u32 $0x1000, s28  }
0x93: {  	[tilespmem:s29], [sflag:$0x1] =	stream.indirect_vreg.gather [hbm4b:s1+s3], $0x80, v4, vm0, $0xb8;
	[tilespmem:$0x19000] =	vst v63  }
0x94: {  	v3 =	vperm.xlane v3, v2;
	s29 =	sor.u32 $0x1800, s28  }
0x95: {  	[tilespmem:s29], [sflag:$0x1] =	stream.indirect_vreg.gather [hbm4b:s5+s3], $0x80, v4, vm0, $0xb8;
	[tilespmem:$0x19000] =	vst v63  }
0x96: {  	v3 =	vadd.s32 v1, v3;
	s29 =	sor.u32 $0x2000, s28  }
0x97: {  	[tilespmem:s29], [sflag:$0x1] =	stream.indirect_vreg.gather [hbm4b:s6+s3], $0x80, v4, vm0, $0xb8;
	[tilespmem:$0x19000] =	vst v63  }
0x98: {  	s29 =	sor.u32 $0x2800, s28  }
0x99: {  	[tilespmem:s29], [sflag:$0x1] =	stream.indirect_vreg.gather [hbm4b:s7+s3], $0x80, v4, vm0, $0xb8;
	[tilespmem:$0x19000] =	vst v63  }
0x9a: {  	s29 =	sor.u32 $0x3000, s28  }
0x9b: {  	[tilespmem:s29], [sflag:$0x1] =	stream.indirect_vreg.gather [hbm4b:s1+s3], $0x80, v3, vm0, $0xb8;
	[tilespmem:$0x19000] =	vst v63  }
0x9c: {  	s29 =	sor.u32 $0x3800, s28  }
0x9d: {  	[tilespmem:s29], [sflag:$0x1] =	stream.indirect_vreg.gather [hbm4b:s5+s3], $0x80, v3, vm0, $0xb8;
	[tilespmem:$0x19000] =	vst v63  }
0x9e: {  	s29 =	sor.u32 $0x4000, s28  }
0x9f: {  	[tilespmem:s29], [sflag:$0x1] =	stream.indirect_vreg.gather [hbm4b:s6+s3], $0x80, v3, vm0, $0xb8;
	[tilespmem:$0x19000] =	vst v63  }
0xa0: {  	s29 =	sor.u32 $0x4800, s28  }
0xa1: {  	[tilespmem:s29], [sflag:$0x1] =	stream.indirect_vreg.gather [hbm4b:s7+s3], $0x80, v3, vm0, $0xb8;
	[tilespmem:$0x19000] =	vst v63  }
0xa2: {  	v3 =	vld [tilespmem:s24+$0x0];
	_ =	sdelay $0x4  }
0xa3: {  	v63 =	vshll.u32 v3, $0x3  }
0xa4: {  	v3 =	vand.u32 $0x7, v3;
	v4 =	vand.u32 $0xFFFFFFC0, v63  }
0xa5: {  	v3 =	vor.u32 v3, v4  }
0xa6: {  	v4 =	vperm.xlane v3, v0;
	_ =	sdelay $0x1  }
0xa7: {  	v4 =	vadd.s32 v1, v4;
	_ =	sdelay $0x3  }
0xa8: {  	s29 =	sor.u32 $0x5000, s28  }
0xa9: {  	[tilespmem:s29], [sflag:$0x1] =	stream.indirect_vreg.gather [hbm4b:s1+s3], $0x80, v4, vm0, $0xb8;
	[tilespmem:$0x19000] =	vst v63  }
0xaa: {  	v3 =	vperm.xlane v3, v2;
	s29 =	sor.u32 $0x5800, s28  }
0xab: {  	[tilespmem:s29], [sflag:$0x1] =	stream.indirect_vreg.gather [hbm4b:s5+s3], $0x80, v4, vm0, $0xb8;
	[tilespmem:$0x19000] =	vst v63  }
0xac: {  	v3 =	vadd.s32 v1, v3;
	s29 =	sor.u32 $0x6000, s28  }
0xad: {  	[tilespmem:s29], [sflag:$0x1] =	stream.indirect_vreg.gather [hbm4b:s6+s3], $0x80, v4, vm0, $0xb8;
	[tilespmem:$0x19000] =	vst v63  }
0xae: {  	s29 =	sor.u32 $0x6800, s28  }
0xaf: {  	[tilespmem:s29], [sflag:$0x1] =	stream.indirect_vreg.gather [hbm4b:s7+s3], $0x80, v4, vm0, $0xb8;
	[tilespmem:$0x19000] =	vst v63  }
0xb0: {  	s29 =	sor.u32 $0x7000, s28  }
0xb1: {  	[tilespmem:s29], [sflag:$0x1] =	stream.indirect_vreg.gather [hbm4b:s1+s3], $0x80, v3, vm0, $0xb8;
	[tilespmem:$0x19000] =	vst v63  }
0xb2: {  	s29 =	sor.u32 $0x7800, s28  }
0xb3: {  	[tilespmem:s29], [sflag:$0x1] =	stream.indirect_vreg.gather [hbm4b:s5+s3], $0x80, v3, vm0, $0xb8;
	[tilespmem:$0x19000] =	vst v63  }
.Ltmp5:
0xb4: {  	_ = 	snop;
	(pc) =	sbr.rel .LBB2_4-.Ltmp5, $4  }
0xb5: {  	s29 =	sadd.s32 $0x8000, s28  }
0xb6: {  	[tilespmem:s29], [sflag:$0x1] =	stream.indirect_vreg.gather [hbm4b:s6+s3], $0x80, v3, vm0, $0xb8;
	[tilespmem:$0x19000] =	vst v63  }
0xb7: {  	s28 =	sadd.s32 $0x8800, s28  }
0xb8: {  	[tilespmem:s28], [sflag:$0x1] =	stream.indirect_vreg.gather [hbm4b:s7+s3], $0x80, v3, vm0, $0xb8;
	[tilespmem:$0x19000] =	vst v63  }
.LBB2_6:
0xb9: {  	_ =	sfence.sel $0x180000  }
0xba: {  	[bflag:$0x0] =	sbarrier.arrive $0xFFFF  }
0xbb: {  	_ =	strace $0x90000047  }
0xbc: {  	s0 =	stileid.u32;
	[bflag:$0x2] =	sbarrier.arrive $0xFFFF  }
0xbd: {  	p0 =	sne.s32 s0, $0x0;
	s0 =	rddreg [dreg:$0x3]  }
0xbe: {  	s0 =	sadd.s32 @!p0 $0x100000, s0  }
0xbf: {  	[sflag:s0] =	ssyncadd.tile.s32 @!p0 $0x1;
	_ =	shalt  }
.Lfunc_end2:
_tile_overlayer_lowered:
.L_overlay_start_2:
0xc0: {  	(tag) =	ssettag $0x2  }
0xc1: {  	s0 =	rddreg [dreg:$0x0];
	s2 =	stileid.u32  }
0xc2: {  	s1 =	rddreg [dreg:$0x1];
	p0 =	sne.s32 s2, $0x0  }
0xc3: {  	s3 =	rddreg [dreg:$0x2];
	[bflag:$0x3] =	sbarrier.arrive $0xFFFF;
	s2 =	simm.s32 @!p0 $0x1C03  }
0xc4: {  	[timem:s3], [sflag:s2] =	dma.local @!p0 [hbm:s0], s1  }
0xc5: {  	s0 =	simm.s32 @!p0 $0x3  }
0xc6: {  	_ =	swait.ge @!p0 [sflag:s0], s1  }
0xc7: {  	s1 =	ssub.s32 @!p0 $0x0, s1;
	[sflag:s0] =	ssyncset.done @!p0 $0x0  }
0xc8: {  	[sflag:s0] =	ssyncadd.s32 @!p0 s1  }
0xc9: {  	[bflag:$0x3] =	sbarrier.arrive $0xFFFF  }
0xca: {  	_ =	shalt  }

</sc_bundles>
